<compile_context>
chip_gen: v7x
topology: tpu7x:2x2x1
jax: 0.10.2.dev20260603
libtpu: 0.0.44.dev20260713+nightly
codegen_flags: <defaults>
</compile_context>

<pallas_src>
import functools

import jax
import jax.numpy as jnp
from jax import lax
from jax.experimental import pallas as pl
from jax.experimental.pallas import tpu as pltpu
from jax.experimental.pallas import tpu_sc as plsc

V = 1000
V_PAD = 1008
NC, NS, L = 2, 16, 16
NW = NC * NS
N_TOK = 4096 * 20
PER_W = N_TOK // NW
STEPS = PER_W // L
_UNROLL = 16


def _stage1_body(glove_ref, fast_ref, wg_ref, bg_ref, wf_ref, bf_ref, s_ref):
    sg = jnp.sum(wg_ref[...], axis=1)
    sf = jnp.sum(wf_ref[...], axis=1)
    c = jnp.sum(bg_ref[...]) + jnp.sum(bf_ref[...])
    s_ref[...] = (jnp.sum(glove_ref[...] * sg[None, :], axis=1)
                  + jnp.sum(fast_ref[...] * sf[None, :], axis=1) + c)


def _build_s_table(glove, fast, Wg, bg, Wf, bf):
    return pl.pallas_call(
        _stage1_body,
        out_shape=jax.ShapeDtypeStruct((V,), jnp.float32),
    )(glove, fast, Wg, bg, Wf, bf)


@functools.lru_cache(maxsize=1)
def _make_histogram():
    @functools.partial(
        pl.kernel,
        out_type=jax.ShapeDtypeStruct((NW, V), jnp.int32),
        mesh=plsc.VectorSubcoreMesh(
            core_axis_name="c", subcore_axis_name="s",
            num_cores=NC, num_subcores=NS),
        scratch_types=[
            pltpu.VMEM((PER_W,), jnp.int32),
            pltpu.VMEM((V_PAD,), jnp.int32),
            pltpu.SemaphoreType.DMA,
        ],
        compiler_params=pltpu.CompilerParams(needs_layout_passes=False,
                                             use_tc_tiling_on_sc=False),
    )
    def _histogram(word_hbm, out_hbm, idx_v, hist_v, sem_i):
        wid = lax.axis_index("s") * NC + lax.axis_index("c")
        base = wid * PER_W
        cp_i = pltpu.async_copy(word_hbm.at[pl.ds(base, PER_W)], idx_v, sem_i)
        zeros = jnp.zeros((L,), jnp.int32)

        def zstep(k, _):
            hist_v[pl.ds(k * L, L)] = zeros
            return 0

        lax.fori_loop(0, V_PAD // L, zstep, 0)
        cp_i.wait()

        def step(i, _):
            for j in range(_UNROLL):
                iv = idx_v[pl.ds((i * _UNROLL + j) * L, L)]
                cnt, last = plsc.scan_count(iv)
                plsc.addupdate_scatter(hist_v, [iv], cnt, mask=last)
            return 0

        lax.fori_loop(0, STEPS // _UNROLL, step, 0)
        pltpu.sync_copy(hist_v.at[pl.ds(0, V)], out_hbm.at[wid])

    return _histogram


def _dot_body(hists_ref, s_ref, out_ref):
    counts = jnp.sum(hists_ref[...], axis=0).astype(jnp.float32)
    out_ref[0, 0] = jnp.sum(counts * s_ref[...])


def kernel(word, glove_table, fast_text_table, Wg, bg, Wf, bf):
    word_flat = word.reshape(-1).astype(jnp.int32)
    hists = _make_histogram()(word_flat)
    s_tab = _build_s_table(glove_table, fast_text_table, Wg, bg, Wf, bf)
    total = pl.pallas_call(
        _dot_body,
        out_shape=jax.ShapeDtypeStruct((1, 1), jnp.float32),
        out_specs=pl.BlockSpec(memory_space=pltpu.SMEM),
    )(hists, s_tab)
    return jnp.reshape(total, ())

# --- scband reference (transcript-rebuilt; emitter-appended) ---
"""Pipeline reference for scband-unweighted-dme-25838523253090 (READ-ONLY COPY).

The authoritative reference and input builder live on the scoring server;
editing this copy changes nothing except your own understanding.
"""

import jax, jax.numpy as jnp
import numpy as np

V = 1000
GLOVE_DIM = 300
FAST_TEXT_DIM = 300
EMBEDDING_PROJECTION = 256


def setup_inputs(seed: int = 0) -> dict:
    key = jax.random.key(seed)
    k1, k2, k3, k4, k5, k6, k7 = jax.random.split(key, 7)
    word = jax.random.randint(k1, (4096, 20), 0, V, dtype=jnp.int64 if jax.config.jax_enable_x64 else jnp.int32)
    glove_table = jax.random.normal(k2, (V, GLOVE_DIM), dtype=jnp.float32) * 0.02
    fast_text_table = jax.random.normal(k3, (V, FAST_TEXT_DIM), dtype=jnp.float32) * 0.02
    Wg = jax.random.normal(k4, (GLOVE_DIM, EMBEDDING_PROJECTION), dtype=jnp.float32) * (1.0 / np.sqrt(GLOVE_DIM))
    bg = jax.random.normal(k5, (EMBEDDING_PROJECTION,), dtype=jnp.float32) * 0.01
    Wf = jax.random.normal(k6, (FAST_TEXT_DIM, EMBEDDING_PROJECTION), dtype=jnp.float32) * (1.0 / np.sqrt(FAST_TEXT_DIM))
    bf = jax.random.normal(k7, (EMBEDDING_PROJECTION,), dtype=jnp.float32) * 0.01
    return {"word": word, "glove_table": glove_table, "fast_text_table": fast_text_table, "Wg": Wg, "bg": bg, "Wf": Wf, "bf": bf}


def reference(word, glove_table, fast_text_table, Wg, bg, Wf, bf):
    # embedding lookups (gather)
    emb_glove = jnp.take(glove_table, word, axis=0)          # [B, L, 300]
    emb_fast_text = jnp.take(fast_text_table, word, axis=0)  # [B, L, 300]
    # linear projections
    out_glove = emb_glove @ Wg + bg                          # [B, L, 256]
    out_fast_text = emb_fast_text @ Wf + bf                  # [B, L, 256]
    stacked = jnp.stack([out_glove, out_fast_text])          # [2, B, L, 256]
    output = jnp.sum(stacked)                                # scalar, matches torch.sum(stacked)
    return output

if __name__ == "__main__":
    import jax
    _d = setup_inputs()
    print(jax.jit(kernel)(*tuple(_d.values())))

</pallas_src>

<mosaic_0001>
#map = affine_map<(d0, d1) -> (0)>
#map1 = affine_map<(d0, d1) -> (0, 0)>
module attributes {stable_mosaic.version = 14 : i64} {
  func.func @_histogram(%arg0: i32, %arg1: i32, %arg2: memref<81920xi32, #tpu.memory_space<hbm>>, %arg3: memref<32x1000xi32, #tpu.memory_space<hbm>>, %arg4: memref<2560xi32, #tpu.memory_space<vmem>>, %arg5: memref<1008xi32, #tpu.memory_space<vmem>>, %arg6: memref<!tpu.dma_semaphore, #tpu.memory_space<semaphore_mem>>) attributes {dimension_semantics = [#tpu.dimension_semantics<core_parallel>, #tpu.dimension_semantics<subcore_parallel>], iteration_bounds = array<i64: 2, 16>, scalar_prefetch = 0 : i64, scratch_operands = 3 : i64, tpu.core_type = #tpu.core_type<sc_vector_subcore>, window_params = [{transform_indices = #map}, {transform_indices = #map1}]} {
    %mul3A = arith.constant 2 : i32
    %mul3A_0 = arith.muli %arg1, %mul3A : i32
    %add3A = arith.addi %mul3A_0, %arg0 : i32
    %mul3A_1 = arith.constant 2560 : i32
    %mul3A_2 = arith.muli %add3A, %mul3A_1 : i32
    %dma_start3A = tpu.memref_slice %arg2[%mul3A_2] : memref<81920xi32, #tpu.memory_space<hbm>> -> memref<2560xi32, #tpu.memory_space<hbm>>
    %dma_start3A_3 = tpu.memref_slice %arg2[%mul3A_2] : memref<81920xi32, #tpu.memory_space<hbm>> -> memref<2560xi32, #tpu.memory_space<hbm>>
    tpu.enqueue_dma source(%dma_start3A_3 : memref<2560xi32, #tpu.memory_space<hbm>>) target(%arg4 : memref<2560xi32, #tpu.memory_space<vmem>>) target_semaphore(%arg6 : memref<!tpu.dma_semaphore, #tpu.memory_space<semaphore_mem>>)
    %broadcast_in_dim3A = arith.constant 0 : i32
    %broadcast_in_dim3A_4 = vector.broadcast %broadcast_in_dim3A : i32 to vector<16xi32>
    %scan3A = arith.constant 0 : i32
    %scan3A_5 = arith.constant 0 : i32
    %scan3A_6 = arith.constant 63 : i32
    %scan3A_7 = arith.addi %scan3A_5, %scan3A_6 : i32
    %scan3A_8 = arith.constant 1 : i32
    %scan3A_9 = scf.for %scan3A_19 = %scan3A_5 to %scan3A_7 step %scan3A_8 iter_args(%scan3A_20 = %scan3A) -> (i32)  : i32 {
      %mul3A_21 = arith.constant 16 : i32
      %mul3A_22 = arith.muli %scan3A_19, %mul3A_21 : i32
      %swap3A = arith.index_cast %mul3A_22 : i32 to index
      %swap3A_23 = tpu.vector_load %arg5[%swap3A] {strides = array<i32>} : memref<1008xi32, #tpu.memory_space<vmem>>, vector<16xi32>,
      tpu.vector_store %arg5[%swap3A], %broadcast_in_dim3A_4 {strides = array<i32>} : memref<1008xi32, #tpu.memory_space<vmem>>, vector<16xi32>,
      %scan3A_24 = arith.constant 0 : i32
      scf.yield %scan3A_24 : i32
    }
    %scan3A_10 = arith.constant 63 : i32
    %dma_wait3A = tpu.memref_slice %arg2[%mul3A_2] : memref<81920xi32, #tpu.memory_space<hbm>> -> memref<2560xi32, #tpu.memory_space<hbm>>
    %dma_wait3A_11 = tpu.memref_slice %arg2[%mul3A_2] : memref<81920xi32, #tpu.memory_space<hbm>> -> memref<2560xi32, #tpu.memory_space<hbm>>
    tpu.wait_dma2 semaphore(%arg6 : memref<!tpu.dma_semaphore, #tpu.memory_space<semaphore_mem>>) src(%dma_wait3A_11 : memref<2560xi32, #tpu.memory_space<hbm>>) dst(%arg4 : memref<2560xi32, #tpu.memory_space<vmem>>)
    %scan3A_12 = arith.constant 0 : i32
    %scan3A_13 = arith.constant 0 : i32
    %scan3A_14 = arith.constant 10 : i32
    %scan3A_15 = arith.addi %scan3A_13, %scan3A_14 : i32
    %scan3A_16 = arith.constant 1 : i32
    %scan3A_17 = scf.for %scan3A_19 = %scan3A_13 to %scan3A_15 step %scan3A_16 iter_args(%scan3A_20 = %scan3A_12) -> (i32)  : i32 {
      %mul3A_21 = arith.constant 16 : i32
      %mul3A_22 = arith.muli %scan3A_19, %mul3A_21 : i32
      %add3A_23 = arith.constant 0 : i32
      %add3A_24 = arith.addi %mul3A_22, %add3A_23 : i32
      %mul3A_25 = arith.constant 16 : i32
      %mul3A_26 = arith.muli %add3A_24, %mul3A_25 : i32
      %get3A = arith.index_cast %mul3A_26 : i32 to index
      %get3A_27 = tpu.vector_load %arg4[%get3A] {strides = array<i32>} : memref<2560xi32, #tpu.memory_space<vmem>>, vector<16xi32>,
      %broadcast_in_dim3A_28 = arith.constant true
      %broadcast_in_dim3A_29 = vector.broadcast %broadcast_in_dim3A_28 : i1 to vector<16xi1>
      %unique3A, %unique3A_30 = tpu.scan_count mask(%broadcast_in_dim3A_29 : vector<16xi1>) value(%get3A_27 : vector<16xi32>) : vector<16xi1>, vector<16xi32>
      tpu.vector_store_idx %arg5[%get3A_27], %unique3A_30 masked %unique3A {add = true} : memref<1008xi32, #tpu.memory_space<vmem>>[vector<16xi32>], vector<16xi32>, vector<16xi1>
      %mul3A_31 = arith.constant 16 : i32
      %mul3A_32 = arith.muli %scan3A_19, %mul3A_31 : i32
      %add3A_33 = arith.constant 1 : i32
      %add3A_34 = arith.addi %mul3A_32, %add3A_33 : i32
      %mul3A_35 = arith.constant 16 : i32
      %mul3A_36 = arith.muli %add3A_34, %mul3A_35 : i32
      %get3A_37 = arith.index_cast %mul3A_36 : i32 to index
      %get3A_38 = tpu.vector_load %arg4[%get3A_37] {strides = array<i32>} : memref<2560xi32, #tpu.memory_space<vmem>>, vector<16xi32>,
      %broadcast_in_dim3A_39 = arith.constant true
      %broadcast_in_dim3A_40 = vector.broadcast %broadcast_in_dim3A_39 : i1 to vector<16xi1>
      %unique3A_41, %unique3A_42 = tpu.scan_count mask(%broadcast_in_dim3A_40 : vector<16xi1>) value(%get3A_38 : vector<16xi32>) : vector<16xi1>, vector<16xi32>
      tpu.vector_store_idx %arg5[%get3A_38], %unique3A_42 masked %unique3A_41 {add = true} : memref<1008xi32, #tpu.memory_space<vmem>>[vector<16xi32>], vector<16xi32>, vector<16xi1>
      %mul3A_43 = arith.constant 16 : i32
      %mul3A_44 = arith.muli %scan3A_19, %mul3A_43 : i32
      %add3A_45 = arith.constant 2 : i32
      %add3A_46 = arith.addi %mul3A_44, %add3A_45 : i32
      %mul3A_47 = arith.constant 16 : i32
      %mul3A_48 = arith.muli %add3A_46, %mul3A_47 : i32
      %get3A_49 = arith.index_cast %mul3A_48 : i32 to index
      %get3A_50 = tpu.vector_load %arg4[%get3A_49] {strides = array<i32>} : memref<2560xi32, #tpu.memory_space<vmem>>, vector<16xi32>,
      %broadcast_in_dim3A_51 = arith.constant true
      %broadcast_in_dim3A_52 = vector.broadcast %broadcast_in_dim3A_51 : i1 to vector<16xi1>
      %unique3A_53, %unique3A_54 = tpu.scan_count mask(%broadcast_in_dim3A_52 : vector<16xi1>) value(%get3A_50 : vector<16xi32>) : vector<16xi1>, vector<16xi32>
      tpu.vector_store_idx %arg5[%get3A_50], %unique3A_54 masked %unique3A_53 {add = true} : memref<1008xi32, #tpu.memory_space<vmem>>[vector<16xi32>], vector<16xi32>, vector<16xi1>
      %mul3A_55 = arith.constant 16 : i32
      %mul3A_56 = arith.muli %scan3A_19, %mul3A_55 : i32
      %add3A_57 = arith.constant 3 : i32
      %add3A_58 = arith.addi %mul3A_56, %add3A_57 : i32
      %mul3A_59 = arith.constant 16 : i32
      %mul3A_60 = arith.muli %add3A_58, %mul3A_59 : i32
      %get3A_61 = arith.index_cast %mul3A_60 : i32 to index
      %get3A_62 = tpu.vector_load %arg4[%get3A_61] {strides = array<i32>} : memref<2560xi32, #tpu.memory_space<vmem>>, vector<16xi32>,
      %broadcast_in_dim3A_63 = arith.constant true
      %broadcast_in_dim3A_64 = vector.broadcast %broadcast_in_dim3A_63 : i1 to vector<16xi1>
      %unique3A_65, %unique3A_66 = tpu.scan_count mask(%broadcast_in_dim3A_64 : vector<16xi1>) value(%get3A_62 : vector<16xi32>) : vector<16xi1>, vector<16xi32>
      tpu.vector_store_idx %arg5[%get3A_62], %unique3A_66 masked %unique3A_65 {add = true} : memref<1008xi32, #tpu.memory_space<vmem>>[vector<16xi32>], vector<16xi32>, vector<16xi1>
      %mul3A_67 = arith.constant 16 : i32
      %mul3A_68 = arith.muli %scan3A_19, %mul3A_67 : i32
      %add3A_69 = arith.constant 4 : i32
      %add3A_70 = arith.addi %mul3A_68, %add3A_69 : i32
      %mul3A_71 = arith.constant 16 : i32
      %mul3A_72 = arith.muli %add3A_70, %mul3A_71 : i32
      %get3A_73 = arith.index_cast %mul3A_72 : i32 to index
      %get3A_74 = tpu.vector_load %arg4[%get3A_73] {strides = array<i32>} : memref<2560xi32, #tpu.memory_space<vmem>>, vector<16xi32>,
      %broadcast_in_dim3A_75 = arith.constant true
      %broadcast_in_dim3A_76 = vector.broadcast %broadcast_in_dim3A_75 : i1 to vector<16xi1>
      %unique3A_77, %unique3A_78 = tpu.scan_count mask(%broadcast_in_dim3A_76 : vector<16xi1>) value(%get3A_74 : vector<16xi32>) : vector<16xi1>, vector<16xi32>
      tpu.vector_store_idx %arg5[%get3A_74], %unique3A_78 masked %unique3A_77 {add = true} : memref<1008xi32, #tpu.memory_space<vmem>>[vector<16xi32>], vector<16xi32>, vector<16xi1>
      %mul3A_79 = arith.constant 16 : i32
      %mul3A_80 = arith.muli %scan3A_19, %mul3A_79 : i32
      %add3A_81 = arith.constant 5 : i32
      %add3A_82 = arith.addi %mul3A_80, %add3A_81 : i32
      %mul3A_83 = arith.constant 16 : i32
      %mul3A_84 = arith.muli %add3A_82, %mul3A_83 : i32
      %get3A_85 = arith.index_cast %mul3A_84 : i32 to index
      %get3A_86 = tpu.vector_load %arg4[%get3A_85] {strides = array<i32>} : memref<2560xi32, #tpu.memory_space<vmem>>, vector<16xi32>,
      %broadcast_in_dim3A_87 = arith.constant true
      %broadcast_in_dim3A_88 = vector.broadcast %broadcast_in_dim3A_87 : i1 to vector<16xi1>
      %unique3A_89, %unique3A_90 = tpu.scan_count mask(%broadcast_in_dim3A_88 : vector<16xi1>) value(%get3A_86 : vector<16xi32>) : vector<16xi1>, vector<16xi32>
      tpu.vector_store_idx %arg5[%get3A_86], %unique3A_90 masked %unique3A_89 {add = true} : memref<1008xi32, #tpu.memory_space<vmem>>[vector<16xi32>], vector<16xi32>, vector<16xi1>
      %mul3A_91 = arith.constant 16 : i32
      %mul3A_92 = arith.muli %scan3A_19, %mul3A_91 : i32
      %add3A_93 = arith.constant 6 : i32
      %add3A_94 = arith.addi %mul3A_92, %add3A_93 : i32
      %mul3A_95 = arith.constant 16 : i32
      %mul3A_96 = arith.muli %add3A_94, %mul3A_95 : i32
      %get3A_97 = arith.index_cast %mul3A_96 : i32 to index
      %get3A_98 = tpu.vector_load %arg4[%get3A_97] {strides = array<i32>} : memref<2560xi32, #tpu.memory_space<vmem>>, vector<16xi32>,
      %broadcast_in_dim3A_99 = arith.constant true
      %broadcast_in_dim3A_100 = vector.broadcast %broadcast_in_dim3A_99 : i1 to vector<16xi1>
      %unique3A_101, %unique3A_102 = tpu.scan_count mask(%broadcast_in_dim3A_100 : vector<16xi1>) value(%get3A_98 : vector<16xi32>) : vector<16xi1>, vector<16xi32>
      tpu.vector_store_idx %arg5[%get3A_98], %unique3A_102 masked %unique3A_101 {add = true} : memref<1008xi32, #tpu.memory_space<vmem>>[vector<16xi32>], vector<16xi32>, vector<16xi1>
      %mul3A_103 = arith.constant 16 : i32
      %mul3A_104 = arith.muli %scan3A_19, %mul3A_103 : i32
      %add3A_105 = arith.constant 7 : i32
      %add3A_106 = arith.addi %mul3A_104, %add3A_105 : i32
      %mul3A_107 = arith.constant 16 : i32
      %mul3A_108 = arith.muli %add3A_106, %mul3A_107 : i32
      %get3A_109 = arith.index_cast %mul3A_108 : i32 to index
      %get3A_110 = tpu.vector_load %arg4[%get3A_109] {strides = array<i32>} : memref<2560xi32, #tpu.memory_space<vmem>>, vector<16xi32>,
      %broadcast_in_dim3A_111 = arith.constant true
      %broadcast_in_dim3A_112 = vector.broadcast %broadcast_in_dim3A_111 : i1 to vector<16xi1>
      %unique3A_113, %unique3A_114 = tpu.scan_count mask(%broadcast_in_dim3A_112 : vector<16xi1>) value(%get3A_110 : vector<16xi32>) : vector<16xi1>, vector<16xi32>
      tpu.vector_store_idx %arg5[%get3A_110], %unique3A_114 masked %unique3A_113 {add = true} : memref<1008xi32, #tpu.memory_space<vmem>>[vector<16xi32>], vector<16xi32>, vector<16xi1>
      %mul3A_115 = arith.constant 16 : i32
      %mul3A_116 = arith.muli %scan3A_19, %mul3A_115 : i32
      %add3A_117 = arith.constant 8 : i32
      %add3A_118 = arith.addi %mul3A_116, %add3A_117 : i32
      %mul3A_119 = arith.constant 16 : i32
      %mul3A_120 = arith.muli %add3A_118, %mul3A_119 : i32
      %get3A_121 = arith.index_cast %mul3A_120 : i32 to index
      %get3A_122 = tpu.vector_load %arg4[%get3A_121] {strides = array<i32>} : memref<2560xi32, #tpu.memory_space<vmem>>, vector<16xi32>,
      %broadcast_in_dim3A_123 = arith.constant true
      %broadcast_in_dim3A_124 = vector.broadcast %broadcast_in_dim3A_123 : i1 to vector<16xi1>
      %unique3A_125, %unique3A_126 = tpu.scan_count mask(%broadcast_in_dim3A_124 : vector<16xi1>) value(%get3A_122 : vector<16xi32>) : vector<16xi1>, vector<16xi32>
      tpu.vector_store_idx %arg5[%get3A_122], %unique3A_126 masked %unique3A_125 {add = true} : memref<1008xi32, #tpu.memory_space<vmem>>[vector<16xi32>], vector<16xi32>, vector<16xi1>
      %mul3A_127 = arith.constant 16 : i32
      %mul3A_128 = arith.muli %scan3A_19, %mul3A_127 : i32
      %add3A_129 = arith.constant 9 : i32
      %add3A_130 = arith.addi %mul3A_128, %add3A_129 : i32
      %mul3A_131 = arith.constant 16 : i32
      %mul3A_132 = arith.muli %add3A_130, %mul3A_131 : i32
      %get3A_133 = arith.index_cast %mul3A_132 : i32 to index
      %get3A_134 = tpu.vector_load %arg4[%get3A_133] {strides = array<i32>} : memref<2560xi32, #tpu.memory_space<vmem>>, vector<16xi32>,
      %broadcast_in_dim3A_135 = arith.constant true
      %broadcast_in_dim3A_136 = vector.broadcast %broadcast_in_dim3A_135 : i1 to vector<16xi1>
      %unique3A_137, %unique3A_138 = tpu.scan_count mask(%broadcast_in_dim3A_136 : vector<16xi1>) value(%get3A_134 : vector<16xi32>) : vector<16xi1>, vector<16xi32>
      tpu.vector_store_idx %arg5[%get3A_134], %unique3A_138 masked %unique3A_137 {add = true} : memref<1008xi32, #tpu.memory_space<vmem>>[vector<16xi32>], vector<16xi32>, vector<16xi1>
      %mul3A_139 = arith.constant 16 : i32
      %mul3A_140 = arith.muli %scan3A_19, %mul3A_139 : i32
      %add3A_141 = arith.constant 10 : i32
      %add3A_142 = arith.addi %mul3A_140, %add3A_141 : i32
      %mul3A_143 = arith.constant 16 : i32
      %mul3A_144 = arith.muli %add3A_142, %mul3A_143 : i32
      %get3A_145 = arith.index_cast %mul3A_144 : i32 to index
      %get3A_146 = tpu.vector_load %arg4[%get3A_145] {strides = array<i32>} : memref<2560xi32, #tpu.memory_space<vmem>>, vector<16xi32>,
      %broadcast_in_dim3A_147 = arith.constant true
      %broadcast_in_dim3A_148 = vector.broadcast %broadcast_in_dim3A_147 : i1 to vector<16xi1>
      %unique3A_149, %unique3A_150 = tpu.scan_count mask(%broadcast_in_dim3A_148 : vector<16xi1>) value(%get3A_146 : vector<16xi32>) : vector<16xi1>, vector<16xi32>
      tpu.vector_store_idx %arg5[%get3A_146], %unique3A_150 masked %unique3A_149 {add = true} : memref<1008xi32, #tpu.memory_space<vmem>>[vector<16xi32>], vector<16xi32>, vector<16xi1>
      %mul3A_151 = arith.constant 16 : i32
      %mul3A_152 = arith.muli %scan3A_19, %mul3A_151 : i32
      %add3A_153 = arith.constant 11 : i32
      %add3A_154 = arith.addi %mul3A_152, %add3A_153 : i32
      %mul3A_155 = arith.constant 16 : i32
      %mul3A_156 = arith.muli %add3A_154, %mul3A_155 : i32
      %get3A_157 = arith.index_cast %mul3A_156 : i32 to index
      %get3A_158 = tpu.vector_load %arg4[%get3A_157] {strides = array<i32>} : memref<2560xi32, #tpu.memory_space<vmem>>, vector<16xi32>,
      %broadcast_in_dim3A_159 = arith.constant true
      %broadcast_in_dim3A_160 = vector.broadcast %broadcast_in_dim3A_159 : i1 to vector<16xi1>
      %unique3A_161, %unique3A_162 = tpu.scan_count mask(%broadcast_in_dim3A_160 : vector<16xi1>) value(%get3A_158 : vector<16xi32>) : vector<16xi1>, vector<16xi32>
      tpu.vector_store_idx %arg5[%get3A_158], %unique3A_162 masked %unique3A_161 {add = true} : memref<1008xi32, #tpu.memory_space<vmem>>[vector<16xi32>], vector<16xi32>, vector<16xi1>
      %mul3A_163 = arith.constant 16 : i32
      %mul3A_164 = arith.muli %scan3A_19, %mul3A_163 : i32
      %add3A_165 = arith.constant 12 : i32
      %add3A_166 = arith.addi %mul3A_164, %add3A_165 : i32
      %mul3A_167 = arith.constant 16 : i32
      %mul3A_168 = arith.muli %add3A_166, %mul3A_167 : i32
      %get3A_169 = arith.index_cast %mul3A_168 : i32 to index
      %get3A_170 = tpu.vector_load %arg4[%get3A_169] {strides = array<i32>} : memref<2560xi32, #tpu.memory_space<vmem>>, vector<16xi32>,
      %broadcast_in_dim3A_171 = arith.constant true
      %broadcast_in_dim3A_172 = vector.broadcast %broadcast_in_dim3A_171 : i1 to vector<16xi1>
      %unique3A_173, %unique3A_174 = tpu.scan_count mask(%broadcast_in_dim3A_172 : vector<16xi1>) value(%get3A_170 : vector<16xi32>) : vector<16xi1>, vector<16xi32>
      tpu.vector_store_idx %arg5[%get3A_170], %unique3A_174 masked %unique3A_173 {add = true} : memref<1008xi32, #tpu.memory_space<vmem>>[vector<16xi32>], vector<16xi32>, vector<16xi1>
      %mul3A_175 = arith.constant 16 : i32
      %mul3A_176 = arith.muli %scan3A_19, %mul3A_175 : i32
      %add3A_177 = arith.constant 13 : i32
      %add3A_178 = arith.addi %mul3A_176, %add3A_177 : i32
      %mul3A_179 = arith.constant 16 : i32
      %mul3A_180 = arith.muli %add3A_178, %mul3A_179 : i32
      %get3A_181 = arith.index_cast %mul3A_180 : i32 to index
      %get3A_182 = tpu.vector_load %arg4[%get3A_181] {strides = array<i32>} : memref<2560xi32, #tpu.memory_space<vmem>>, vector<16xi32>,
      %broadcast_in_dim3A_183 = arith.constant true
      %broadcast_in_dim3A_184 = vector.broadcast %broadcast_in_dim3A_183 : i1 to vector<16xi1>
      %unique3A_185, %unique3A_186 = tpu.scan_count mask(%broadcast_in_dim3A_184 : vector<16xi1>) value(%get3A_182 : vector<16xi32>) : vector<16xi1>, vector<16xi32>
      tpu.vector_store_idx %arg5[%get3A_182], %unique3A_186 masked %unique3A_185 {add = true} : memref<1008xi32, #tpu.memory_space<vmem>>[vector<16xi32>], vector<16xi32>, vector<16xi1>
      %mul3A_187 = arith.constant 16 : i32
      %mul3A_188 = arith.muli %scan3A_19, %mul3A_187 : i32
      %add3A_189 = arith.constant 14 : i32
      %add3A_190 = arith.addi %mul3A_188, %add3A_189 : i32
      %mul3A_191 = arith.constant 16 : i32
      %mul3A_192 = arith.muli %add3A_190, %mul3A_191 : i32
      %get3A_193 = arith.index_cast %mul3A_192 : i32 to index
      %get3A_194 = tpu.vector_load %arg4[%get3A_193] {strides = array<i32>} : memref<2560xi32, #tpu.memory_space<vmem>>, vector<16xi32>,
      %broadcast_in_dim3A_195 = arith.constant true
      %broadcast_in_dim3A_196 = vector.broadcast %broadcast_in_dim3A_195 : i1 to vector<16xi1>
      %unique3A_197, %unique3A_198 = tpu.scan_count mask(%broadcast_in_dim3A_196 : vector<16xi1>) value(%get3A_194 : vector<16xi32>) : vector<16xi1>, vector<16xi32>
      tpu.vector_store_idx %arg5[%get3A_194], %unique3A_198 masked %unique3A_197 {add = true} : memref<1008xi32, #tpu.memory_space<vmem>>[vector<16xi32>], vector<16xi32>, vector<16xi1>
      %mul3A_199 = arith.constant 16 : i32
      %mul3A_200 = arith.muli %scan3A_19, %mul3A_199 : i32
      %add3A_201 = arith.constant 15 : i32
      %add3A_202 = arith.addi %mul3A_200, %add3A_201 : i32
      %mul3A_203 = arith.constant 16 : i32
      %mul3A_204 = arith.muli %add3A_202, %mul3A_203 : i32
      %get3A_205 = arith.index_cast %mul3A_204 : i32 to index
      %get3A_206 = tpu.vector_load %arg4[%get3A_205] {strides = array<i32>} : memref<2560xi32, #tpu.memory_space<vmem>>, vector<16xi32>,
      %broadcast_in_dim3A_207 = arith.constant true
      %broadcast_in_dim3A_208 = vector.broadcast %broadcast_in_dim3A_207 : i1 to vector<16xi1>
      %unique3A_209, %unique3A_210 = tpu.scan_count mask(%broadcast_in_dim3A_208 : vector<16xi1>) value(%get3A_206 : vector<16xi32>) : vector<16xi1>, vector<16xi32>
      tpu.vector_store_idx %arg5[%get3A_206], %unique3A_210 masked %unique3A_209 {add = true} : memref<1008xi32, #tpu.memory_space<vmem>>[vector<16xi32>], vector<16xi32>, vector<16xi1>
      %scan3A_211 = arith.constant 0 : i32
      scf.yield %scan3A_211 : i32
    }
    %scan3A_18 = arith.constant 10 : i32
    "tpu.region"() ({
      %run_scoped3A = tpu.sem_alloc : memref<!tpu.dma_semaphore, #tpu.memory_space<semaphore_mem>>
      %dma_start3A_19 = arith.constant 0 : i32
      %dma_start3A_20 = tpu.memref_slice %arg5[%dma_start3A_19] : memref<1008xi32, #tpu.memory_space<vmem>> -> memref<1000xi32, #tpu.memory_space<vmem>>
      %dma_start3A_21 = arith.constant 0 : i32
      %dma_start3A_22 = tpu.memref_slice %arg3[%add3A, %dma_start3A_21] : memref<32x1000xi32, #tpu.memory_space<hbm>> -> memref<1x1000xi32, #tpu.memory_space<hbm>>
      %dma_start3A_23 = tpu.memref_squeeze %dma_start3A_22 : memref<1x1000xi32, #tpu.memory_space<hbm>> -> memref<1000xi32, #tpu.memory_space<hbm>>
      %dma_start3A_24 = arith.constant 0 : i32
      %dma_start3A_25 = tpu.memref_slice %arg3[%add3A, %dma_start3A_24] : memref<32x1000xi32, #tpu.memory_space<hbm>> -> memref<1x1000xi32, #tpu.memory_space<hbm>>
      %dma_start3A_26 = tpu.memref_squeeze %dma_start3A_25 : memref<1x1000xi32, #tpu.memory_space<hbm>> -> memref<1000xi32, #tpu.memory_space<hbm>>
      %dma_start3A_27 = arith.constant 0 : i32
      %dma_start3A_28 = tpu.memref_slice %arg5[%dma_start3A_27] : memref<1008xi32, #tpu.memory_space<vmem>> -> memref<1000xi32, #tpu.memory_space<vmem>>
      tpu.enqueue_dma source(%dma_start3A_28 : memref<1000xi32, #tpu.memory_space<vmem>>) target(%dma_start3A_26 : memref<1000xi32, #tpu.memory_space<hbm>>) target_semaphore(%run_scoped3A : memref<!tpu.dma_semaphore, #tpu.memory_space<semaphore_mem>>)
      %dma_wait3A_29 = arith.constant 0 : i32
      %dma_wait3A_30 = tpu.memref_slice %arg5[%dma_wait3A_29] : memref<1008xi32, #tpu.memory_space<vmem>> -> memref<1000xi32, #tpu.memory_space<vmem>>
      %dma_wait3A_31 = arith.constant 0 : i32
      %dma_wait3A_32 = tpu.memref_slice %arg3[%add3A, %dma_wait3A_31] : memref<32x1000xi32, #tpu.memory_space<hbm>> -> memref<1x1000xi32, #tpu.memory_space<hbm>>
      %dma_wait3A_33 = tpu.memref_squeeze %dma_wait3A_32 : memref<1x1000xi32, #tpu.memory_space<hbm>> -> memref<1000xi32, #tpu.memory_space<hbm>>
      %dma_wait3A_34 = arith.constant 0 : i32
      %dma_wait3A_35 = tpu.memref_slice %arg3[%add3A, %dma_wait3A_34] : memref<32x1000xi32, #tpu.memory_space<hbm>> -> memref<1x1000xi32, #tpu.memory_space<hbm>>
      %dma_wait3A_36 = tpu.memref_squeeze %dma_wait3A_35 : memref<1x1000xi32, #tpu.memory_space<hbm>> -> memref<1000xi32, #tpu.memory_space<hbm>>
      %dma_wait3A_37 = arith.constant 0 : i32
      %dma_wait3A_38 = tpu.memref_slice %arg5[%dma_wait3A_37] : memref<1008xi32, #tpu.memory_space<vmem>> -> memref<1000xi32, #tpu.memory_space<vmem>>
      tpu.wait_dma2 semaphore(%run_scoped3A : memref<!tpu.dma_semaphore, #tpu.memory_space<semaphore_mem>>) src(%dma_wait3A_38 : memref<1000xi32, #tpu.memory_space<vmem>>) dst(%dma_wait3A_36 : memref<1000xi32, #tpu.memory_space<hbm>>)
      tpu.yield
    }) : () -> ()
    return
  }
}

module attributes {stable_mosaic.version = 14 : i64} {
  func.func @_stage1_body(%arg0: memref<1000x300xf32, #tpu.memory_space<vmem>>, %arg1: memref<1000x300xf32, #tpu.memory_space<vmem>>, %arg2: memref<300x256xf32, #tpu.memory_space<vmem>>, %arg3: memref<256xf32, #tpu.memory_space<vmem>>, %arg4: memref<300x256xf32, #tpu.memory_space<vmem>>, %arg5: memref<256xf32, #tpu.memory_space<vmem>>, %arg6: memref<1000xf32, #tpu.memory_space<vmem>>) attributes {dimension_semantics = [], scalar_prefetch = 0 : i64, scratch_operands = 0 : i64, tpu.core_type = #tpu.core_type<tc>} {
    %get3A = arith.constant 0 : index
    %get3A_0 = arith.constant 0 : index
    %get3A_1 = vector.load %arg2[%get3A, %get3A_0] : memref<300x256xf32, #tpu.memory_space<vmem>>, vector<300x256xf32>
    %reduce_sum3A = arith.constant dense<0.000000e+00> : vector<300xf32>
    %reduce_sum3A_2 = vector.multi_reduction <add>, %get3A_1, %reduce_sum3A [1] : vector<300x256xf32> to vector<300xf32>
    %get3A_3 = arith.constant 0 : index
    %get3A_4 = arith.constant 0 : index
    %get3A_5 = vector.load %arg4[%get3A_3, %get3A_4] : memref<300x256xf32, #tpu.memory_space<vmem>>, vector<300x256xf32>
    %reduce_sum3A_6 = arith.constant dense<0.000000e+00> : vector<300xf32>
    %reduce_sum3A_7 = vector.multi_reduction <add>, %get3A_5, %reduce_sum3A_6 [1] : vector<300x256xf32> to vector<300xf32>
    %get3A_8 = arith.constant 0 : index
    %get3A_9 = vector.load %arg3[%get3A_8] : memref<256xf32, #tpu.memory_space<vmem>>, vector<256xf32>
    %reduce_sum3A_10 = vector.shape_cast %get3A_9 : vector<256xf32> to vector<1x256xf32>
    %reduce_sum3A_11 = arith.constant dense<0.000000e+00> : vector<1xf32>
    %reduce_sum3A_12 = vector.multi_reduction <add>, %reduce_sum3A_10, %reduce_sum3A_11 [1] : vector<1x256xf32> to vector<1xf32>
    %reduce_sum3A_13 = vector.shape_cast %reduce_sum3A_12 : vector<1xf32> to vector<1x1xf32>
    %reduce_sum3A_14 = vector.extract %reduce_sum3A_13[0, 0] : f32 from vector<1x1xf32>
    %get3A_15 = arith.constant 0 : index
    %get3A_16 = vector.load %arg5[%get3A_15] : memref<256xf32, #tpu.memory_space<vmem>>, vector<256xf32>
    %reduce_sum3A_17 = vector.shape_cast %get3A_16 : vector<256xf32> to vector<1x256xf32>
    %reduce_sum3A_18 = arith.constant dense<0.000000e+00> : vector<1xf32>
    %reduce_sum3A_19 = vector.multi_reduction <add>, %reduce_sum3A_17, %reduce_sum3A_18 [1] : vector<1x256xf32> to vector<1xf32>
    %reduce_sum3A_20 = vector.shape_cast %reduce_sum3A_19 : vector<1xf32> to vector<1x1xf32>
    %reduce_sum3A_21 = vector.extract %reduce_sum3A_20[0, 0] : f32 from vector<1x1xf32>
    %add3A = arith.addf %reduce_sum3A_14, %reduce_sum3A_21 : f32
    %get3A_22 = arith.constant 0 : index
    %get3A_23 = arith.constant 0 : index
    %get3A_24 = vector.load %arg0[%get3A_22, %get3A_23] : memref<1000x300xf32, #tpu.memory_space<vmem>>, vector<1000x300xf32>
    %broadcast_in_dim3A = vector.shape_cast %reduce_sum3A_2 : vector<300xf32> to vector<1x300xf32>
    %mul3A = vector.broadcast %broadcast_in_dim3A : vector<1x300xf32> to vector<1000x300xf32>
    %mul3A_25 = arith.mulf %get3A_24, %mul3A : vector<1000x300xf32>
    %reduce_sum3A_26 = arith.constant dense<0.000000e+00> : vector<1000xf32>
    %reduce_sum3A_27 = vector.multi_reduction <add>, %mul3A_25, %reduce_sum3A_26 [1] : vector<1000x300xf32> to vector<1000xf32>
    %get3A_28 = arith.constant 0 : index
    %get3A_29 = arith.constant 0 : index
    %get3A_30 = vector.load %arg1[%get3A_28, %get3A_29] : memref<1000x300xf32, #tpu.memory_space<vmem>>, vector<1000x300xf32>
    %broadcast_in_dim3A_31 = vector.shape_cast %reduce_sum3A_7 : vector<300xf32> to vector<1x300xf32>
    %mul3A_32 = vector.broadcast %broadcast_in_dim3A_31 : vector<1x300xf32> to vector<1000x300xf32>
    %mul3A_33 = arith.mulf %get3A_30, %mul3A_32 : vector<1000x300xf32>
    %reduce_sum3A_34 = arith.constant dense<0.000000e+00> : vector<1000xf32>
    %reduce_sum3A_35 = vector.multi_reduction <add>, %mul3A_33, %reduce_sum3A_34 [1] : vector<1000x300xf32> to vector<1000xf32>
    %add3A_36 = arith.addf %reduce_sum3A_27, %reduce_sum3A_35 : vector<1000xf32>
    %add3A_37 = vector.broadcast %add3A : f32 to vector<1000xf32>
    %add3A_38 = arith.addf %add3A_36, %add3A_37 : vector<1000xf32>
    %swap3A = arith.constant 0 : index
    %swap3A_39 = vector.load %arg6[%swap3A] : memref<1000xf32, #tpu.memory_space<vmem>>, vector<1000xf32>
    tpu.vector_store %arg6[%swap3A], %add3A_38 {strides = array<i32>} : memref<1000xf32, #tpu.memory_space<vmem>>, vector<1000xf32>,
    return
  }
}

module attributes {stable_mosaic.version = 14 : i64} {
  func.func @_dot_body(%arg0: memref<32x1000xi32, #tpu.memory_space<vmem>>, %arg1: memref<1000xf32, #tpu.memory_space<vmem>>, %arg2: memref<1x1xf32, #tpu.memory_space<smem>>) attributes {dimension_semantics = [], scalar_prefetch = 0 : i64, scratch_operands = 0 : i64, tpu.core_type = #tpu.core_type<tc>} {
    %get3A = arith.constant 0 : index
    %get3A_0 = arith.constant 0 : index
    %get3A_1 = vector.load %arg0[%get3A, %get3A_0] : memref<32x1000xi32, #tpu.memory_space<vmem>>, vector<32x1000xi32>
    %reduce_sum3A = arith.constant dense<0> : vector<1000xi32>
    %reduce_sum3A_2 = vector.multi_reduction <add>, %get3A_1, %reduce_sum3A [0] : vector<32x1000xi32> to vector<1000xi32>
    %convert_element_type3A = arith.sitofp %reduce_sum3A_2 : vector<1000xi32> to vector<1000xf32>
    %get3A_3 = arith.constant 0 : index
    %get3A_4 = vector.load %arg1[%get3A_3] : memref<1000xf32, #tpu.memory_space<vmem>>, vector<1000xf32>
    %mul3A = arith.mulf %convert_element_type3A, %get3A_4 : vector<1000xf32>
    %reduce_sum3A_5 = vector.shape_cast %mul3A : vector<1000xf32> to vector<1x1000xf32>
    %reduce_sum3A_6 = arith.constant dense<0.000000e+00> : vector<1xf32>
    %reduce_sum3A_7 = vector.multi_reduction <add>, %reduce_sum3A_5, %reduce_sum3A_6 [1] : vector<1x1000xf32> to vector<1xf32>
    %reduce_sum3A_8 = vector.shape_cast %reduce_sum3A_7 : vector<1xf32> to vector<1x1xf32>
    %reduce_sum3A_9 = vector.extract %reduce_sum3A_8[0, 0] : f32 from vector<1x1xf32>
    %swap3A = arith.constant 0 : index
    %swap3A_10 = arith.constant 0 : index
    %swap3A_11 = memref.load %arg2[%swap3A, %swap3A_10] : memref<1x1xf32, #tpu.memory_space<smem>>
    memref.store %reduce_sum3A_9, %arg2[%swap3A, %swap3A_10] : memref<1x1xf32, #tpu.memory_space<smem>>
    return
  }
}

</mosaic_0001>

<sc_bundles>
// kernel: kernel.5.cloned.1.call-start
scs
__scs_entry_jumppad:
0x0: {  	(pc) =	sbr.rel $0x88, $3  }
0x1: {  	(tag) =	ssettag $0x0;
	lr =	simm.s32 $0x1  }
0x2: {  	[smem:$0x3F9A] =	sst lr;
	_ =	strace $0xD0000000  }
0x3: {  	_ = 	snop  }
0x4: {  	_ = 	snop  }
0x5: {  	_ = 	snop  }
0x6: {  	_ = 	snop  }
0x7: {  	_ = 	snop  }
__scs_overlays_trampoline_lowered:
0x8: {  	[smem:$0x3FA9] =	sst s0  }
0x9: {  	[smem:$0x3FAA] =	sst s1  }
0xa: {  	[smem:$0x3FAB] =	sst s2  }
0xb: {  	[smem:$0x3FAC] =	sst s3  }
0xc: {  	[smem:$0x3FAD] =	sst s4  }
0xd: {  	[smem:$0x3FAE] =	sst s5  }
0xe: {  	[smem:$0x3FAF] =	sst s6  }
0xf: {  	[smem:$0x3FB0] =	sst s7  }
0x10: {  	[smem:$0x3FB1] =	sst s8  }
0x11: {  	[smem:$0x3FB2] =	sst s9;
	s0 =	simm.s32 @!p0 $0x0  }
0x12: {  	s1 =	sld [smem:$0x3F98];
	s0 =	simm.s32 @p0 $0x1  }
0x13: {  	[smem:$0x3FB3] =	sst s0;
	s0 =	simm.s32 @!p1 $0x0  }
0x14: {  	s2 =	sld [smem:$0x3F97];
	s0 =	simm.s32 @p1 $0x1  }
0x15: {  	[smem:$0x3FB4] =	sst s0;
	s0 =	simm.s32 @!p2 $0x0  }
0x16: {  	s3 =	sld [smem:$0x3FDB];
	s0 =	simm.s32 @p2 $0x1  }
0x17: {  	s4 =	simm.s32 $0x1BF5;
	[smem:$0x3FB6] =	sst s0  }
0x18: {  	s0 =	sld [smem:$0x3F99];
	_ =	swait.ge [sflag:s4], $0x0  }
0x19: {  	s7 =	sld [smem:$0x3F9A]  }
0x1a: {  	s8 =	sadd.s32 $0xFFFFE003, lr  }
0x1b: {  	s9 =	sadd.s32 $0xFFFFFEF7, lr;
	s5 =	simm.s32 $0xFFFFFFFF;
	p2 =	slt.u32 s8, $0xFFFFF086  }
0x1c: {  	p1 =	slt.u32 s9, $0xF7A;
	s5 =	simm.s32 @!p2 $0x0  }
0x1d: {  	s5 =	simm.s32 @p1 $0x1;
	p0 =	seq.s32 s7, s2  }
0x1e: {  	s7 =	smul.u32 @!p0 $0xF7A, s2;
	p2 =	seq.s32 @!p0 s5, $0x0  }
0x1f: {  	s9 =	smul.u32 $0xF7A, s1;
	s8 =	simm.s32 @!p0 $0x1BF5;
	p2 =	por !p2, p0  }
0x20: {  	[sflag:s8] =	ssyncset.s32 @!p0 $0xFFFFF086;
	s6 =	sadd.s32 @!p0 s3, s7;
	s7 =	simm.s32 @!p0 $0x108  }
0x21: {  	s3 =	sadd.s32 s3, s9;
	s6 =	sadd.s32 @!p0 $0x88, s6;
	s7 =	simm.s32 @p2 $0x1082  }
0x22: {  	[simem:s7], [sflag:s8] =	dma.local @!p0 [hbm:s6], $0xF7A  }
0x23: {  	s9 =	sor.u32 $0xD0000000, s2;
	s6 =	simm.s32 $0x108;
	_ =	swait.ge @!p0 [sflag:s8], $0x0  }
0x24: {  	s3 =	sadd.s32 $0x88, s3;
	s6 =	simm.s32 @!p1 $0x1082;
	[sflag:s4] =	ssyncset.s32 $0xFFFFF086  }
0x25: {  	[simem:s6], [sflag:s4] =	dma.local [hbm:s3], $0xF7A  }
0x26: {  	[smem:$0x3F9A] =	sst s1;
	(tag) =	ssettag s2;
	_ =	strace s9  }
0x27: {  	s1 =	sld [smem:$0x3FAA]  }
0x28: {  	s2 =	sld [smem:$0x3FAB]  }
0x29: {  	s4 =	sld [smem:$0x3FAD]  }
0x2a: {  	p0 =	seq.s32 s5, $0x0;
	s5 =	sld [smem:$0x3FAE]  }
0x2b: {  	s6 =	sld [smem:$0x3FAF]  }
0x2c: {  	s7 =	sld [smem:$0x3FB0]  }
0x2d: {  	s3 =	simm.s32 $0x108;
	s8 =	sld [smem:$0x3FB1]  }
0x2e: {  	s3 =	simm.s32 @!p0 $0x1082;
	s9 =	sld [smem:$0x3FB2]  }
0x2f: {  	lr =	sadd.s32 s0, s3;
	s0 =	sld [smem:$0x3FA9]  }
0x30: {  	s3 =	sld [smem:$0x3FAC]  }
0x31: {  	[smem:$0x3FB5] =	sst s10  }
0x32: {  	s10 =	sld [smem:$0x3FB3];
	_ =	sdelay $0x3  }
0x33: {  	p0 =	seq.s32 s10, $0x1;
	s10 =	sld [smem:$0x3FB5];
	_ =	sdelay $0x3  }
0x34: {  	[smem:$0x3FB5] =	sst s10  }
0x35: {  	s10 =	sld [smem:$0x3FB4];
	_ =	sdelay $0x3  }
0x36: {  	p1 =	seq.s32 s10, $0x1;
	s10 =	sld [smem:$0x3FB5];
	_ =	sdelay $0x3  }
0x37: {  	[smem:$0x3FB5] =	sst s10  }
0x38: {  	s10 =	sld [smem:$0x3FB6]  }
0x39: {  	_ = 	snop;
	(pc) =	sbr.ind lr, $3  }
0x3a: {  	_ = 	snop  }
0x3b: {  	_ = 	snop  }
0x3c: {  	p2 =	seq.s32 s10, $0x1;
	s10 =	sld [smem:$0x3FB5]  }
0x3d: {  	_ =	shalt  }
0x3e: {  	_ =	shalt  }
0x3f: {  	_ =	shalt  }
0x40: {  	_ =	shalt  }
0x41: {  	_ =	shalt  }
0x42: {  	_ =	shalt  }
0x43: {  	_ =	shalt  }
0x44: {  	_ =	shalt  }
0x45: {  	_ =	shalt  }
0x46: {  	_ =	shalt  }
0x47: {  	_ =	shalt  }
0x48: {  	_ =	shalt  }
0x49: {  	_ =	shalt  }
0x4a: {  	_ =	shalt  }
0x4b: {  	_ =	shalt  }
0x4c: {  	_ =	shalt  }
0x4d: {  	_ =	shalt  }
0x4e: {  	_ =	shalt  }
0x4f: {  	_ =	shalt  }
0x50: {  	_ =	shalt  }
0x51: {  	_ =	shalt  }
0x52: {  	_ =	shalt  }
0x53: {  	_ =	shalt  }
0x54: {  	_ =	shalt  }
0x55: {  	_ =	shalt  }
0x56: {  	_ =	shalt  }
0x57: {  	_ =	shalt  }
0x58: {  	_ =	shalt  }
0x59: {  	_ =	shalt  }
0x5a: {  	_ =	shalt  }
0x5b: {  	_ =	shalt  }
0x5c: {  	_ =	shalt  }
0x5d: {  	_ =	shalt  }
0x5e: {  	_ =	shalt  }
0x5f: {  	_ =	shalt  }
0x60: {  	_ =	shalt  }
0x61: {  	_ =	shalt  }
0x62: {  	_ =	shalt  }
0x63: {  	_ =	shalt  }
0x64: {  	_ =	shalt  }
0x65: {  	_ =	shalt  }
0x66: {  	_ =	shalt  }
0x67: {  	_ =	shalt  }
0x68: {  	_ =	shalt  }
0x69: {  	_ =	shalt  }
0x6a: {  	_ =	shalt  }
0x6b: {  	_ =	shalt  }
0x6c: {  	_ =	shalt  }
0x6d: {  	_ =	shalt  }
0x6e: {  	_ =	shalt  }
0x6f: {  	_ =	shalt  }
0x70: {  	_ =	shalt  }
0x71: {  	_ =	shalt  }
0x72: {  	_ =	shalt  }
0x73: {  	_ =	shalt  }
0x74: {  	_ =	shalt  }
0x75: {  	_ =	shalt  }
0x76: {  	_ =	shalt  }
0x77: {  	_ =	shalt  }
0x78: {  	_ =	shalt  }
0x79: {  	_ =	shalt  }
0x7a: {  	_ =	shalt  }
0x7b: {  	_ =	shalt  }
0x7c: {  	_ =	shalt  }
0x7d: {  	_ =	shalt  }
0x7e: {  	_ =	shalt  }
0x7f: {  	_ =	shalt  }
0x80: {  	_ =	shalt  }
0x81: {  	_ =	shalt  }
0x82: {  	_ =	shalt  }
0x83: {  	_ =	shalt  }
0x84: {  	_ =	shalt  }
0x85: {  	_ =	shalt  }
0x86: {  	_ =	shalt  }
0x87: {  	_ =	shalt  }
.Lfunc_end0:
.L_simem_size_0:
called_computation_lowered:
.L_overlay_start_0:
0x88: {  	s2 =	sld [smem:$0x3FD9]  }
0x89: {  	s3 =	sld [smem:$0x3FFE];
	_ =	sdelay $0x1  }
0x8a: {  	s1 =	srdreg.scid  }
0x8b: {  	s0 =	sand.u32 $0x1, s1  }
0x8c: {  	s16 =	sshll.u32 s0, $0xA;
	s2 =	sadd.s32 s3, s2  }
0x8d: {  	s2 =	sadd.s32 s2, s16  }
0x8e: {  	[smem:$0x3FC1] =	sst s2  }
0x8f: {  	_ = 	snop  }
0x90: {  	(tm) =	ssettm $0x1  }
0x91: {  	s17 =	sld [smem:$0x3FFB];
	_ =	sdelay $0x3  }
0x92: {  	_ =	strace s17  }
0x93: {  	s2 =	sld [smem:$0x3FFC];
	_ =	sdelay $0x3  }
0x94: {  	_ =	strace s2  }
0x95: {  	s2 =	sld [smem:$0x3FFD];
	_ =	sdelay $0x3  }
0x96: {  	_ =	strace s2  }
0x97: {  	_ =	strace $0x8FFFFFFF  }
0x98: {  	s18 =	sld [smem:$0x3FDB];
	_ =	sdelay $0x1  }
0x99: {  	s19 =	simm.s32 $_scs_section_size  }
0x9a: {  	s4 =	simm.s32 $_size__tile_overlayer_lowered;
	s5 =	simm.s32 $_tile_overlayer_lowered  }
0x9b: {  	s22 =	simm.s32 $0x1BFF;
	s21 =	sshll.u32 s5, $0x1;
	s2 =	sadd.s32 s19, s18  }
0x9c: {  	s6 =	simm.s32 $0x0;
	s20 =	sshll.u32 s4, $0x1;
	s4 =	sadd.s32 s21, s2  }
0x9d: {  	[timem:s6], [sflag:s22] =	dma.local [hbm:s4], s20  }
0x9e: {  	_ =	swait.ge [sflag:s22], s20  }
0x9f: {  	s3 =	ssub.s32 $0x0, s20;
	[sflag:s22] =	ssyncset.done $0x0  }
0xa0: {  	[sflag:s22] =	ssyncadd.s32 s3;
	_ =	sdelay $0x1  }
0xa1: {  	s23 =	simm.s32 $0x1B8B  }
0xa2: {  	_ =	swait.ge [sflag:s23], $0x1  }
0xa3: {  	[sflag:s23] =	ssyncset.done $0x0  }
0xa4: {  	s25 =	simm.s32 $0x1B8E;
	s24 =	sld [smem:$0x3FFE];
	[sflag:s23] =	ssyncadd.s32 $0xFFFFFFFF  }
0xa5: {  	s26 =	simm.s32 $execute0_lowered;
	[smem:$0x3FD2] =	sst s25  }
0xa6: {  	s4 =	sshll.u32 s26, $0x1;
	_ =	strace $0x80000046;
	[dreg:$0x1] =	wrdreg $0xFFFFFFFF  }
0xa7: {  	s28 =	simm.s32 $_size_execute0_lowered;
	s2 =	sadd.s32 s2, s4;
	[dreg:$0x0] =	wrdreg $0x0  }
0xa8: {  	s4 =	sshll.u32 s28, $0x1;
	[dreg:$0x2] =	wrdreg s2  }
0xa9: {  	[dreg:$0x3] =	wrdreg s4  }
0xaa: {  	[dreg:$0x4] =	wrdreg $0xC0  }
0xab: {  	_ =	task [dreg:s6], $0x5FFFF  }
0xac: {  	[dreg:$0x1] =	wrdreg $0xFFFFFFFF  }
0xad: {  	[dreg:$0x0] =	wrdreg $0x60  }
0xae: {  	[dreg:$0x2] =	wrdreg s24  }
0xaf: {  	[dreg:$0x3] =	wrdreg $0x9  }
0xb0: {  	_ =	task.clear_ibuf [dreg:s6], $0x4FFFF;
	_ =	strace $0x90000046  }
0xb1: {  	s29 =	simm.s32 $0x9;
	_ =	strace $0x80000048  }
0xb2: {  	_ =	swait.ge [sflag:s29], $0x1  }
0xb3: {  	[sflag:s29] =	ssyncadd.s32 $0xFFFFFFFF  }
0xb4: {  	_ =	strace $0x90000048  }
0xb5: {  	_ =	sfence  }
0xb6: {  	s30 =	sld [smem:$0x0];
	_ =	sdelay $0x2  }
0xb7: {  	s31 =	sshll.u32 s1, $0xD;
	s1 =	sshrl.u32 s1, $0x2  }
0xb8: {  	s3 =	sand.u32 $0x4000, s31;
	s1 =	sadd.s32 s1, s30  }
0xb9: {  	s0 =	sor.u32 s3, s0;
	s1 =	sshll.u32 s1, $0x11  }
0xba: {  	s0 =	sor.u32 s1, s0  }
0xbb: {  	s0 =	sadd.s32 $0x8F2B, s0  }
0xbc: {  	[sflag:s0] =	ssyncadd.remote.s32 $0x1  }
0xbd: {  	_ =	sfence.sel $0xFFFF  }
0xbe: {  	[dreg:$0x0] =	wrdreg $0xFFFFFFFF;
	(pc) =	sbr.abs _section_cstart, $3  }
0xbf: {  	[dreg:$0x1] =	wrdreg $0xFFFFFFFF  }
0xc0: {  	_ =	task.clear_ibuf [dreg:s6], $0x2FFFF;
	_ =	strace $0x9FFFFFFF  }
0xc1: {  	(tm) =	ssettm $0x7FFFFFFF  }
tec
execute0_lowered:
.L_overlay_start_1:
0x0: {  	(tag) =	ssettag $0x1  }
0x1: {  	s1 =	srdreg.scid  }
0x2: {  	s0 =	stileid.u32;
	s4 =	rddreg [dreg:$0x0]  }
0x3: {  	s2 =	simm.s32 $0x0;
	s3 =	sand.u32 $0x1, s1;
	s30 =	sshll.u32 s0, $0x1  }
0x4: {  	s8 =	simm.s32 $0x2;
	s9 =	simm.s32 $0x0;
	s5 =	sor.u32 s3, s30  }
0x5: {  	s1 =	rddreg [dreg:$0x1];
	s3 =	ssub.s32 $0x2, s3;
	s6 =	smul.u32 $0x140, s5  }
0x6: {  	[smem:$0x7FF] =	sst s2;
	s5 =	smul.u32 $0x7D, s5;
	s7 =	sshrl.u32 s3, $0x1  }
0x7: {  	_ =	strace $0x80000047;
	s31 =	ssub.s32 s3, s7;
	s7 =	simm.s32 $0xA00  }
0x8: {  	s6 =	sadd.s32 s6, s4;
	s4 =	sadd.s32 s5, s4;
	s5 =	smax.u32 s31, $0x1  }
0x9: {  	v0 =	vimm.s32 $0x0;
	s3 =	sadd.s32 $0x1000, s6;
	s4 =	sadd.s32 $0x3800, s4;
	s6 =	simm.s32 $0x1  }
.LBB2_1:
0xa: {  	[tilespmem:s2], [sflag:$0x1] =	stream.linear.gather [hbm4b:s3+s2], $0xA00, $0x38;
	[tilespmem:$0xDF0] =	vst v63  }
0xb: {  	s10 =	simm.s32 $0x40;
	s11 =	simm.s32 $0x0  }
.LBB2_2:
0xc: {  	p0 =	sne.s32 s10, $0xF80;
	[tilespmem:s11+$0xA00] =	vst v0;
	s11 =	smov.u32 s10;
	s10 =	sadd.s32 $0x40, s10  }
.Ltmp0:
0xd: {  	(pc) =	sbr.rel @p0 .LBB2_2-.Ltmp0, $2  }
0xe: {  	_ =	sdelay $0x2  }
0xf: {  	s11 =	sshra.s32 s11, $0x2  }
0x10: {  	[tilespmem:s11+$0xA00] =	vst v0  }
0x11: {  	_ =	swait.ge [sflag:s6], $0xA00  }
0x12: {  	[sflag:s6] =	ssyncset.done $0x0  }
0x13: {  	s10 =	simm.s32 $0x0;
	[sflag:s6] =	ssyncadd.s32 $0xFFFFF600  }
.LBB2_4:
0x14: {  	s11 =	sshra.s32 s10, $0x2  }
0x15: {  	v1 =	vld [tilespmem:s11+$0x0];
	_ =	sdelay $0x4  }
0x16: {  	(xrf1) =	vunique.msk.u32 $0xffff, v1;
	_ =	sdelay $0xd  }
0x17: {  	_, v2, vm0 =	vpop (xrf1);
	_ =	sdelay $0x5  }
0x18: {  	[tilespmem:v1+s7+$0x0] =	vst.idx.add.s32.msk vm0, v2  }
0x19: {  	v1 =	vld [tilespmem:s11+$0x10];
	_ =	sdelay $0x4  }
0x1a: {  	(xrf1) =	vunique.msk.u32 $0xffff, v1;
	_ =	sdelay $0xd  }
0x1b: {  	_, v2, vm0 =	vpop (xrf1);
	_ =	sdelay $0x5  }
0x1c: {  	[tilespmem:v1+s7+$0x0] =	vst.idx.add.s32.msk vm0, v2  }
0x1d: {  	v1 =	vld [tilespmem:s11+$0x20];
	_ =	sdelay $0x4  }
0x1e: {  	(xrf1) =	vunique.msk.u32 $0xffff, v1;
	_ =	sdelay $0xd  }
0x1f: {  	_, v2, vm0 =	vpop (xrf1);
	_ =	sdelay $0x5  }
0x20: {  	[tilespmem:v1+s7+$0x0] =	vst.idx.add.s32.msk vm0, v2  }
0x21: {  	v1 =	vld [tilespmem:s11+$0x30];
	_ =	sdelay $0x4  }
0x22: {  	(xrf1) =	vunique.msk.u32 $0xffff, v1;
	_ =	sdelay $0xd  }
0x23: {  	_, v2, vm0 =	vpop (xrf1);
	_ =	sdelay $0x5  }
0x24: {  	[tilespmem:v1+s7+$0x0] =	vst.idx.add.s32.msk vm0, v2  }
0x25: {  	v1 =	vld [tilespmem:s11+$0x40];
	_ =	sdelay $0x4  }
0x26: {  	(xrf1) =	vunique.msk.u32 $0xffff, v1;
	_ =	sdelay $0xd  }
0x27: {  	_, v2, vm0 =	vpop (xrf1);
	_ =	sdelay $0x5  }
0x28: {  	[tilespmem:v1+s7+$0x0] =	vst.idx.add.s32.msk vm0, v2  }
0x29: {  	v1 =	vld [tilespmem:s11+$0x50];
	_ =	sdelay $0x4  }
0x2a: {  	(xrf1) =	vunique.msk.u32 $0xffff, v1;
	_ =	sdelay $0xd  }
0x2b: {  	_, v2, vm0 =	vpop (xrf1);
	_ =	sdelay $0x5  }
0x2c: {  	[tilespmem:v1+s7+$0x0] =	vst.idx.add.s32.msk vm0, v2  }
0x2d: {  	v1 =	vld [tilespmem:s11+$0x60];
	_ =	sdelay $0x4  }
0x2e: {  	(xrf1) =	vunique.msk.u32 $0xffff, v1;
	_ =	sdelay $0xd  }
0x2f: {  	_, v2, vm0 =	vpop (xrf1);
	_ =	sdelay $0x5  }
0x30: {  	[tilespmem:v1+s7+$0x0] =	vst.idx.add.s32.msk vm0, v2  }
0x31: {  	v1 =	vld [tilespmem:s11+$0x70];
	_ =	sdelay $0x4  }
0x32: {  	(xrf1) =	vunique.msk.u32 $0xffff, v1;
	_ =	sdelay $0xd  }
0x33: {  	_, v2, vm0 =	vpop (xrf1);
	_ =	sdelay $0x5  }
0x34: {  	[tilespmem:v1+s7+$0x0] =	vst.idx.add.s32.msk vm0, v2  }
0x35: {  	v1 =	vld [tilespmem:s11+$0x80];
	_ =	sdelay $0x4  }
0x36: {  	(xrf1) =	vunique.msk.u32 $0xffff, v1;
	_ =	sdelay $0xd  }
0x37: {  	_, v2, vm0 =	vpop (xrf1);
	_ =	sdelay $0x5  }
0x38: {  	[tilespmem:v1+s7+$0x0] =	vst.idx.add.s32.msk vm0, v2  }
0x39: {  	v1 =	vld [tilespmem:s11+$0x90];
	_ =	sdelay $0x4  }
0x3a: {  	(xrf1) =	vunique.msk.u32 $0xffff, v1;
	_ =	sdelay $0xd  }
0x3b: {  	_, v2, vm0 =	vpop (xrf1);
	_ =	sdelay $0x5  }
0x3c: {  	[tilespmem:v1+s7+$0x0] =	vst.idx.add.s32.msk vm0, v2  }
0x3d: {  	v1 =	vld [tilespmem:s11+$0xA0];
	_ =	sdelay $0x4  }
0x3e: {  	(xrf1) =	vunique.msk.u32 $0xffff, v1;
	_ =	sdelay $0xd  }
0x3f: {  	_, v2, vm0 =	vpop (xrf1);
	_ =	sdelay $0x5  }
0x40: {  	[tilespmem:v1+s7+$0x0] =	vst.idx.add.s32.msk vm0, v2  }
0x41: {  	v1 =	vld [tilespmem:s11+$0xB0];
	_ =	sdelay $0x4  }
0x42: {  	(xrf1) =	vunique.msk.u32 $0xffff, v1;
	_ =	sdelay $0xd  }
0x43: {  	_, v2, vm0 =	vpop (xrf1);
	_ =	sdelay $0x5  }
0x44: {  	[tilespmem:v1+s7+$0x0] =	vst.idx.add.s32.msk vm0, v2  }
0x45: {  	v1 =	vld [tilespmem:s11+$0xC0];
	_ =	sdelay $0x4  }
0x46: {  	(xrf1) =	vunique.msk.u32 $0xffff, v1;
	_ =	sdelay $0xd  }
0x47: {  	_, v2, vm0 =	vpop (xrf1);
	_ =	sdelay $0x5  }
0x48: {  	[tilespmem:v1+s7+$0x0] =	vst.idx.add.s32.msk vm0, v2  }
0x49: {  	v1 =	vld [tilespmem:s11+$0xD0];
	_ =	sdelay $0x4  }
0x4a: {  	(xrf1) =	vunique.msk.u32 $0xffff, v1;
	_ =	sdelay $0xd  }
0x4b: {  	_, v2, vm0 =	vpop (xrf1);
	_ =	sdelay $0x5  }
0x4c: {  	[tilespmem:v1+s7+$0x0] =	vst.idx.add.s32.msk vm0, v2  }
0x4d: {  	v1 =	vld [tilespmem:s11+$0xE0];
	_ =	sdelay $0x4  }
0x4e: {  	(xrf1) =	vunique.msk.u32 $0xffff, v1;
	_ =	sdelay $0xd  }
0x4f: {  	_, v2, vm0 =	vpop (xrf1);
	_ =	sdelay $0x5  }
0x50: {  	[tilespmem:v1+s7+$0x0] =	vst.idx.add.s32.msk vm0, v2  }
0x51: {  	v1 =	vld [tilespmem:s11+$0xF0];
	_ =	sdelay $0x4  }
0x52: {  	(xrf1) =	vunique.msk.u32 $0xffff, v1;
	_ =	sdelay $0xd  }
0x53: {  	_, v2, vm0 =	vpop (xrf1)  }
0x54: {  	p0 =	sne.s32 s10, $0x2400  }
.Ltmp1:
0x55: {  	_ = 	snop;
	(pc) =	sbr.rel @p0 .LBB2_4-.Ltmp1, $2  }
0x56: {  	_ =	sdelay $0x2  }
0x57: {  	s10 =	sadd.s32 $0x400, s10;
	[tilespmem:v1+s7+$0x0] =	vst.idx.add.s32.msk vm0, v2  }
0x58: {  	s9 =	sadd.s32 $0x1, s9  }
0x59: {  	p0 =	sne.s32 s9, s5  }
.Ltmp2:
0x5a: {  	_ = 	snop;
	(pc) =	sbr.rel @p0 .LBB2_1-.Ltmp2, $4  }
0x5b: {  	[hbm4b:s4+s2] =	stream.linear.scatter [tilespmem:s7], [sflag:$0x2], $0x3E8, $0x38;
	[tilespmem:$0xDF0] =	vst v63  }
0x5c: {  	_ =	swait.ge [sflag:s8], $0x3E8  }
0x5d: {  	[sflag:s8] =	ssyncset.done $0x0  }
0x5e: {  	[sflag:s8] =	ssyncadd.s32 $0xFFFFFC18  }
0x5f: {  	_ =	sfence.sel $0x180000  }
0x60: {  	[bflag:$0x0] =	sbarrier.arrive $0xFFFF  }
0x61: {  	p0 =	sne.s32 s0, $0x0;
	_ =	strace $0x90000047  }
0x62: {  	s0 =	sadd.s32 @!p0 $0x100000, s1;
	[bflag:$0x2] =	sbarrier.arrive $0xFFFF  }
0x63: {  	[sflag:s0] =	ssyncadd.tile.s32 @!p0 $0x1;
	_ =	shalt  }
.Lfunc_end2:
_tile_overlayer_lowered:
.L_overlay_start_2:
0x64: {  	(tag) =	ssettag $0x2  }
0x65: {  	s0 =	rddreg [dreg:$0x0];
	s2 =	stileid.u32  }
0x66: {  	s1 =	rddreg [dreg:$0x1];
	p0 =	sne.s32 s2, $0x0  }
0x67: {  	s3 =	rddreg [dreg:$0x2];
	[bflag:$0x3] =	sbarrier.arrive $0xFFFF;
	s2 =	simm.s32 @!p0 $0x1C02  }
0x68: {  	[timem:s3], [sflag:s2] =	dma.local @!p0 [hbm:s0], s1  }
0x69: {  	s0 =	simm.s32 @!p0 $0x2  }
0x6a: {  	_ =	swait.ge @!p0 [sflag:s0], s1  }
0x6b: {  	s1 =	ssub.s32 @!p0 $0x0, s1;
	[sflag:s0] =	ssyncset.done @!p0 $0x0  }
0x6c: {  	[sflag:s0] =	ssyncadd.s32 @!p0 s1  }
0x6d: {  	[bflag:$0x3] =	sbarrier.arrive $0xFFFF  }
0x6e: {  	_ =	shalt  }

</sc_bundles>
